<compile_context>
chip_gen: v7x
topology: tpu7x:2x2x1
jax: 0.10.2.dev20260603
libtpu: 0.0.44.dev20260713+nightly
codegen_flags: <defaults>
</compile_context>

<pallas_src>
import functools

import jax
import jax.numpy as jnp
from jax import lax
from jax.experimental import pallas as pl
from jax.experimental.pallas import tpu as pltpu
from jax.experimental.pallas import tpu_sc as plsc

L = 16
NW = 32
NC = 2


def _sc_pose_correction(n_rows, batch):
    b_per_w = batch // NW
    groups = b_per_w // L
    mesh = plsc.VectorSubcoreMesh(core_axis_name="c", subcore_axis_name="s")

    @functools.partial(
        pl.kernel,
        mesh=mesh,
        compiler_params=pltpu.CompilerParams(
            needs_layout_passes=False,
            disable_bounds_checks=True,
            disable_semaphore_checks=True,
            skip_device_barrier=True,
        ),
        out_type=jax.ShapeDtypeStruct((6, batch), jnp.float32),
        scratch_types=[
            pltpu.VMEM((7, n_rows), jnp.float32),
            pltpu.VMEM((b_per_w,), jnp.int32),
            pltpu.VMEM((b_per_w,), jnp.int32),
            pltpu.VMEM((6, b_per_w), jnp.float32),
            pltpu.VMEM((6, b_per_w), jnp.float32),
            pltpu.SemaphoreType.DMA,
            pltpu.SemaphoreType.DMA,
            pltpu.SemaphoreType.DMA,
            pltpu.SemaphoreType.DMA,
        ],
    )
    def k(table_hbm, idx_hbm, mask_hbm, rays_hbm, out_hbm,
          table_v, idx_v, mask_v, rays_v, out_v,
          sem_t, sem_i, sem_m, sem_r):
        wid = lax.axis_index("s") * NC + lax.axis_index("c")
        base = wid * b_per_w
        cps = [pltpu.async_copy(table_hbm, table_v, sem_t)]
        cps.append(pltpu.async_copy(
            idx_hbm.at[pl.ds(base, b_per_w)], idx_v, sem_i))
        cps.append(pltpu.async_copy(
            mask_hbm.at[pl.ds(base, b_per_w)], mask_v, sem_m))
        cps.append(pltpu.async_copy(
            rays_hbm.at[:, pl.ds(base, b_per_w)], rays_v, sem_r))
        for cp in cps:
            cp.wait()

        zeros = jnp.zeros((L,), jnp.float32)
        ones = jnp.ones((L,), jnp.float32)

        @plsc.parallel_loop(0, groups, unroll=2)
        def body(g):
            sl = pl.ds(g * L, L)
            idx = idx_v[sl]
            m = mask_v[sl] == 1

            def gat(c, ident):
                col = jnp.full((L,), c, jnp.int32)
                return jnp.where(m, plsc.load_gather(table_v, [col, idx]), ident)

            tx = gat(0, zeros)
            ty = gat(1, zeros)
            tz = gat(2, zeros)
            qx = gat(3, zeros)
            qy = gat(4, zeros)
            qz = gat(5, zeros)
            qw = gat(6, ones)

            dx = rays_v[3, sl]
            dy = rays_v[4, sl]
            dz = rays_v[5, sl]

            c1x = qy * dz - qz * dy
            c1y = qz * dx - qx * dz
            c1z = qx * dy - qy * dx
            c2x = qw * c1x + (qy * c1z - qz * c1y)
            c2y = qw * c1y + (qz * c1x - qx * c1z)
            c2z = qw * c1z + (qx * c1y - qy * c1x)

            out_v[0, sl] = rays_v[0, sl] + tx
            out_v[1, sl] = rays_v[1, sl] + ty
            out_v[2, sl] = rays_v[2, sl] + tz
            out_v[3, sl] = dx + 2.0 * c2x
            out_v[4, sl] = dy + 2.0 * c2y
            out_v[5, sl] = dz + 2.0 * c2z

        pltpu.sync_copy(out_v, out_hbm.at[:, pl.ds(base, b_per_w)])

    return k


def kernel(image_indices, rays, depth_mask, correction_dict):
    batch = rays.shape[0]
    n_rows = correction_dict.shape[0]

    table_t = correction_dict.T
    idx = image_indices.astype(jnp.int32)
    mask = depth_mask.astype(jnp.int32).reshape(-1)
    rays_t = rays.T

    out = _sc_pose_correction(n_rows, batch)(table_t, idx, mask, rays_t)
    return out.T

# --- scband reference (transcript-rebuilt; emitter-appended) ---
"""Pipeline reference for scband-pose-correction-25116968747196 (READ-ONLY COPY).

The authoritative reference and input builder live on the scoring server;
editing this copy changes nothing except your own understanding.
"""

import jax, jax.numpy as jnp
import numpy as np

N_FRAMES = 1000
BATCH = 16384


def _quat_to_rot(q):
    # q = (x, y, z, w) convention (pypose SE3 layout: tx,ty,tz,qx,qy,qz,qw)
    x, y, z, w = q[:, 0], q[:, 1], q[:, 2], q[:, 3]
    r00 = 1.0 - 2.0 * (y * y + z * z)
    r01 = 2.0 * (x * y - z * w)
    r02 = 2.0 * (x * z + y * w)
    r10 = 2.0 * (x * y + z * w)
    r11 = 1.0 - 2.0 * (x * x + z * z)
    r12 = 2.0 * (y * z - x * w)
    r20 = 2.0 * (x * z - y * w)
    r21 = 2.0 * (y * z + x * w)
    r22 = 1.0 - 2.0 * (x * x + y * y)
    R = jnp.stack([r00, r01, r02, r10, r11, r12, r20, r21, r22], axis=-1)
    return R.reshape(-1, 3, 3)


def setup_inputs(seed: int = 0) -> dict:
    key = jax.random.key(seed)
    k1, k2, k3, k4, k5 = jax.random.split(key, 5)
    image_indices = jax.random.randint(k1, (BATCH,), 0, N_FRAMES).astype(jnp.int64)
    rays = jax.random.normal(k2, (BATCH, 6), dtype=jnp.float32)
    depth_mask = jax.random.randint(k3, (BATCH, 1), 0, 2).astype(jnp.int32)
    # learned SE3 table [n_frames, 7]: small translations + unit quaternions
    trans = 0.1 * jax.random.normal(k4, (N_FRAMES, 3), dtype=jnp.float32)
    quat = jax.random.normal(k5, (N_FRAMES, 4), dtype=jnp.float32)
    quat = quat / jnp.linalg.norm(quat, axis=1, keepdims=True)
    correction_dict = jnp.concatenate([trans, quat], axis=1)
    return {
        "image_indices": image_indices,
        "rays": rays,
        "depth_mask": depth_mask,
        "correction_dict": correction_dict,
    }


def reference(image_indices, rays, depth_mask, correction_dict):
    B = rays.shape[0]
    # pp.identity_SE3(B): zeros for (t, qx, qy, qz), 1 for qw
    identity = jnp.concatenate(
        [jnp.zeros((B, 6), dtype=rays.dtype), jnp.ones((B, 1), dtype=rays.dtype)],
        axis=1,
    )
    gathered = jnp.take(correction_dict, image_indices.astype(jnp.int32), axis=0)
    correction = jnp.where(depth_mask == 1, gathered, identity)
    t = correction[:, :3]
    q = correction[:, 3:7]
    R = _quat_to_rot(q)
    origins = rays[:, :3] + t
    dirs = jnp.squeeze(R @ rays[:, 3:6, None], axis=-1)
    rays = rays.at[:, :3].set(origins)
    rays = rays.at[:, 3:6].set(dirs)
    return rays

if __name__ == "__main__":
    import jax
    _d = setup_inputs()
    print(jax.jit(kernel)(*tuple(_d.values())))

</pallas_src>

<mosaic_0001>
#map = affine_map<(d0, d1) -> (0, 0)>
#map1 = affine_map<(d0, d1) -> (0)>
module attributes {stable_mosaic.version = 14 : i64} {
  func.func @k(%arg0: i32, %arg1: i32, %arg2: memref<7x1000xf32, #tpu.memory_space<hbm>>, %arg3: memref<16384xi32, #tpu.memory_space<hbm>>, %arg4: memref<16384xi32, #tpu.memory_space<hbm>>, %arg5: memref<6x16384xf32, #tpu.memory_space<hbm>>, %arg6: memref<6x16384xf32, #tpu.memory_space<hbm>>, %arg7: memref<7x1000xf32, #tpu.memory_space<vmem>>, %arg8: memref<512xi32, #tpu.memory_space<vmem>>, %arg9: memref<512xi32, #tpu.memory_space<vmem>>, %arg10: memref<6x512xf32, #tpu.memory_space<vmem>>, %arg11: memref<6x512xf32, #tpu.memory_space<vmem>>, %arg12: memref<!tpu.dma_semaphore, #tpu.memory_space<semaphore_mem>>, %arg13: memref<!tpu.dma_semaphore, #tpu.memory_space<semaphore_mem>>, %arg14: memref<!tpu.dma_semaphore, #tpu.memory_space<semaphore_mem>>, %arg15: memref<!tpu.dma_semaphore, #tpu.memory_space<semaphore_mem>>) attributes {dimension_semantics = [#tpu.dimension_semantics<core_parallel>, #tpu.dimension_semantics<subcore_parallel>], iteration_bounds = array<i64: 2, 16>, scalar_prefetch = 0 : i64, scratch_operands = 9 : i64, tpu.core_type = #tpu.core_type<sc_vector_subcore>, window_params = [{transform_indices = #map}, {transform_indices = #map1}, {transform_indices = #map1}, {transform_indices = #map}, {transform_indices = #map}]} {
    %mul3A = arith.constant 2 : i32
    %mul3A_0 = arith.muli %arg1, %mul3A : i32
    %add3A = arith.addi %mul3A_0, %arg0 : i32
    %mul3A_1 = arith.constant 512 : i32
    %mul3A_2 = arith.muli %add3A, %mul3A_1 : i32
    tpu.enqueue_dma source(%arg2 : memref<7x1000xf32, #tpu.memory_space<hbm>>) target(%arg7 : memref<7x1000xf32, #tpu.memory_space<vmem>>) target_semaphore(%arg12 : memref<!tpu.dma_semaphore, #tpu.memory_space<semaphore_mem>>)
    %dma_start3A = tpu.memref_slice %arg3[%mul3A_2] : memref<16384xi32, #tpu.memory_space<hbm>> -> memref<512xi32, #tpu.memory_space<hbm>>
    %dma_start3A_3 = tpu.memref_slice %arg3[%mul3A_2] : memref<16384xi32, #tpu.memory_space<hbm>> -> memref<512xi32, #tpu.memory_space<hbm>>
    tpu.enqueue_dma source(%dma_start3A_3 : memref<512xi32, #tpu.memory_space<hbm>>) target(%arg8 : memref<512xi32, #tpu.memory_space<vmem>>) target_semaphore(%arg13 : memref<!tpu.dma_semaphore, #tpu.memory_space<semaphore_mem>>)
    %dma_start3A_4 = tpu.memref_slice %arg4[%mul3A_2] : memref<16384xi32, #tpu.memory_space<hbm>> -> memref<512xi32, #tpu.memory_space<hbm>>
    %dma_start3A_5 = tpu.memref_slice %arg4[%mul3A_2] : memref<16384xi32, #tpu.memory_space<hbm>> -> memref<512xi32, #tpu.memory_space<hbm>>
    tpu.enqueue_dma source(%dma_start3A_5 : memref<512xi32, #tpu.memory_space<hbm>>) target(%arg9 : memref<512xi32, #tpu.memory_space<vmem>>) target_semaphore(%arg14 : memref<!tpu.dma_semaphore, #tpu.memory_space<semaphore_mem>>)
    %dma_start3A_6 = arith.constant 0 : i32
    %dma_start3A_7 = tpu.memref_slice %arg5[%dma_start3A_6, %mul3A_2] : memref<6x16384xf32, #tpu.memory_space<hbm>> -> memref<6x512xf32, #tpu.memory_space<hbm>>
    %dma_start3A_8 = arith.constant 0 : i32
    %dma_start3A_9 = tpu.memref_slice %arg5[%dma_start3A_8, %mul3A_2] : memref<6x16384xf32, #tpu.memory_space<hbm>> -> memref<6x512xf32, #tpu.memory_space<hbm>>
    tpu.enqueue_dma source(%dma_start3A_9 : memref<6x512xf32, #tpu.memory_space<hbm>>) target(%arg10 : memref<6x512xf32, #tpu.memory_space<vmem>>) target_semaphore(%arg15 : memref<!tpu.dma_semaphore, #tpu.memory_space<semaphore_mem>>)
    tpu.wait_dma2 semaphore(%arg12 : memref<!tpu.dma_semaphore, #tpu.memory_space<semaphore_mem>>) src(%arg2 : memref<7x1000xf32, #tpu.memory_space<hbm>>) dst(%arg7 : memref<7x1000xf32, #tpu.memory_space<vmem>>)
    %dma_wait3A = tpu.memref_slice %arg3[%mul3A_2] : memref<16384xi32, #tpu.memory_space<hbm>> -> memref<512xi32, #tpu.memory_space<hbm>>
    %dma_wait3A_10 = tpu.memref_slice %arg3[%mul3A_2] : memref<16384xi32, #tpu.memory_space<hbm>> -> memref<512xi32, #tpu.memory_space<hbm>>
    tpu.wait_dma2 semaphore(%arg13 : memref<!tpu.dma_semaphore, #tpu.memory_space<semaphore_mem>>) src(%dma_wait3A_10 : memref<512xi32, #tpu.memory_space<hbm>>) dst(%arg8 : memref<512xi32, #tpu.memory_space<vmem>>)
    %dma_wait3A_11 = tpu.memref_slice %arg4[%mul3A_2] : memref<16384xi32, #tpu.memory_space<hbm>> -> memref<512xi32, #tpu.memory_space<hbm>>
    %dma_wait3A_12 = tpu.memref_slice %arg4[%mul3A_2] : memref<16384xi32, #tpu.memory_space<hbm>> -> memref<512xi32, #tpu.memory_space<hbm>>
    tpu.wait_dma2 semaphore(%arg14 : memref<!tpu.dma_semaphore, #tpu.memory_space<semaphore_mem>>) src(%dma_wait3A_12 : memref<512xi32, #tpu.memory_space<hbm>>) dst(%arg9 : memref<512xi32, #tpu.memory_space<vmem>>)
    %dma_wait3A_13 = arith.constant 0 : i32
    %dma_wait3A_14 = tpu.memref_slice %arg5[%dma_wait3A_13, %mul3A_2] : memref<6x16384xf32, #tpu.memory_space<hbm>> -> memref<6x512xf32, #tpu.memory_space<hbm>>
    %dma_wait3A_15 = arith.constant 0 : i32
    %dma_wait3A_16 = tpu.memref_slice %arg5[%dma_wait3A_15, %mul3A_2] : memref<6x16384xf32, #tpu.memory_space<hbm>> -> memref<6x512xf32, #tpu.memory_space<hbm>>
    tpu.wait_dma2 semaphore(%arg15 : memref<!tpu.dma_semaphore, #tpu.memory_space<semaphore_mem>>) src(%dma_wait3A_16 : memref<6x512xf32, #tpu.memory_space<hbm>>) dst(%arg10 : memref<6x512xf32, #tpu.memory_space<vmem>>)
    %broadcast_in_dim3A = arith.constant 0.000000e+00 : f32
    %broadcast_in_dim3A_17 = vector.broadcast %broadcast_in_dim3A : f32 to vector<16xf32>
    %broadcast_in_dim3A_18 = arith.constant 1.000000e+00 : f32
    %broadcast_in_dim3A_19 = vector.broadcast %broadcast_in_dim3A_18 : f32 to vector<16xf32>
    %parallel_loop3A = arith.constant 0 : i32
    %parallel_loop3A_20 = arith.constant 32 : i32
    %parallel_loop3A_21 = arith.constant 1 : i32
    scf.for %parallel_loop3A_22 = %parallel_loop3A to %parallel_loop3A_20 step %parallel_loop3A_21  : i32 {
      %parallel_loop3A_23 = arith.constant 16 : i32
      %parallel_loop3A_24 = arith.muli %parallel_loop3A_22, %parallel_loop3A_23 : i32
      %parallel_loop3A_25 = arith.index_cast %parallel_loop3A_24 : i32 to index
      %parallel_loop3A_26 = tpu.vector_load %arg8[%parallel_loop3A_25] {strides = array<i32>} : memref<512xi32, #tpu.memory_space<vmem>>, vector<16xi32>,
      %parallel_loop3A_27 = arith.index_cast %parallel_loop3A_24 : i32 to index
      %parallel_loop3A_28 = tpu.vector_load %arg9[%parallel_loop3A_27] {strides = array<i32>} : memref<512xi32, #tpu.memory_space<vmem>>, vector<16xi32>,
      %parallel_loop3A_29 = arith.constant 1 : i32
      %parallel_loop3A_30 = vector.broadcast %parallel_loop3A_29 : i32 to vector<16xi32>
      %parallel_loop3A_31 = arith.cmpi eq, %parallel_loop3A_28, %parallel_loop3A_30 : vector<16xi32>
      %parallel_loop3A_32 = arith.constant 0 : i32
      %parallel_loop3A_33 = vector.broadcast %parallel_loop3A_32 : i32 to vector<16xi32>
      %parallel_loop3A_34 = tpu.vector_load_idx %arg7[%parallel_loop3A_33, %parallel_loop3A_26] : memref<7x1000xf32, #tpu.memory_space<vmem>>[vector<16xi32>, vector<16xi32>], vector<16xf32>,
      %parallel_loop3A_35 = arith.select %parallel_loop3A_31, %parallel_loop3A_34, %broadcast_in_dim3A_17 : vector<16xi1>, vector<16xf32>
      %parallel_loop3A_36 = arith.constant 1 : i32
      %parallel_loop3A_37 = vector.broadcast %parallel_loop3A_36 : i32 to vector<16xi32>
      %parallel_loop3A_38 = tpu.vector_load_idx %arg7[%parallel_loop3A_37, %parallel_loop3A_26] : memref<7x1000xf32, #tpu.memory_space<vmem>>[vector<16xi32>, vector<16xi32>], vector<16xf32>,
      %parallel_loop3A_39 = arith.select %parallel_loop3A_31, %parallel_loop3A_38, %broadcast_in_dim3A_17 : vector<16xi1>, vector<16xf32>
      %parallel_loop3A_40 = arith.constant 2 : i32
      %parallel_loop3A_41 = vector.broadcast %parallel_loop3A_40 : i32 to vector<16xi32>
      %parallel_loop3A_42 = tpu.vector_load_idx %arg7[%parallel_loop3A_41, %parallel_loop3A_26] : memref<7x1000xf32, #tpu.memory_space<vmem>>[vector<16xi32>, vector<16xi32>], vector<16xf32>,
      %parallel_loop3A_43 = arith.select %parallel_loop3A_31, %parallel_loop3A_42, %broadcast_in_dim3A_17 : vector<16xi1>, vector<16xf32>
      %parallel_loop3A_44 = arith.constant 3 : i32
      %parallel_loop3A_45 = vector.broadcast %parallel_loop3A_44 : i32 to vector<16xi32>
      %parallel_loop3A_46 = tpu.vector_load_idx %arg7[%parallel_loop3A_45, %parallel_loop3A_26] : memref<7x1000xf32, #tpu.memory_space<vmem>>[vector<16xi32>, vector<16xi32>], vector<16xf32>,
      %parallel_loop3A_47 = arith.select %parallel_loop3A_31, %parallel_loop3A_46, %broadcast_in_dim3A_17 : vector<16xi1>, vector<16xf32>
      %parallel_loop3A_48 = arith.constant 4 : i32
      %parallel_loop3A_49 = vector.broadcast %parallel_loop3A_48 : i32 to vector<16xi32>
      %parallel_loop3A_50 = tpu.vector_load_idx %arg7[%parallel_loop3A_49, %parallel_loop3A_26] : memref<7x1000xf32, #tpu.memory_space<vmem>>[vector<16xi32>, vector<16xi32>], vector<16xf32>,
      %parallel_loop3A_51 = arith.select %parallel_loop3A_31, %parallel_loop3A_50, %broadcast_in_dim3A_17 : vector<16xi1>, vector<16xf32>
      %parallel_loop3A_52 = arith.constant 5 : i32
      %parallel_loop3A_53 = vector.broadcast %parallel_loop3A_52 : i32 to vector<16xi32>
      %parallel_loop3A_54 = tpu.vector_load_idx %arg7[%parallel_loop3A_53, %parallel_loop3A_26] : memref<7x1000xf32, #tpu.memory_space<vmem>>[vector<16xi32>, vector<16xi32>], vector<16xf32>,
      %parallel_loop3A_55 = arith.select %parallel_loop3A_31, %parallel_loop3A_54, %broadcast_in_dim3A_17 : vector<16xi1>, vector<16xf32>
      %parallel_loop3A_56 = arith.constant 6 : i32
      %parallel_loop3A_57 = vector.broadcast %parallel_loop3A_56 : i32 to vector<16xi32>
      %parallel_loop3A_58 = tpu.vector_load_idx %arg7[%parallel_loop3A_57, %parallel_loop3A_26] : memref<7x1000xf32, #tpu.memory_space<vmem>>[vector<16xi32>, vector<16xi32>], vector<16xf32>,
      %parallel_loop3A_59 = arith.select %parallel_loop3A_31, %parallel_loop3A_58, %broadcast_in_dim3A_19 : vector<16xi1>, vector<16xf32>
      %parallel_loop3A_60 = arith.constant 3 : i32
      %parallel_loop3A_61 = arith.index_cast %parallel_loop3A_60 : i32 to index
      %parallel_loop3A_62 = arith.index_cast %parallel_loop3A_24 : i32 to index
      %parallel_loop3A_63 = tpu.vector_load %arg10[%parallel_loop3A_61, %parallel_loop3A_62] {strides = array<i32>} : memref<6x512xf32, #tpu.memory_space<vmem>>, vector<16xf32>,
      %parallel_loop3A_64 = arith.constant 4 : i32
      %parallel_loop3A_65 = arith.index_cast %parallel_loop3A_64 : i32 to index
      %parallel_loop3A_66 = arith.index_cast %parallel_loop3A_24 : i32 to index
      %parallel_loop3A_67 = tpu.vector_load %arg10[%parallel_loop3A_65, %parallel_loop3A_66] {strides = array<i32>} : memref<6x512xf32, #tpu.memory_space<vmem>>, vector<16xf32>,
      %parallel_loop3A_68 = arith.constant 5 : i32
      %parallel_loop3A_69 = arith.index_cast %parallel_loop3A_68 : i32 to index
      %parallel_loop3A_70 = arith.index_cast %parallel_loop3A_24 : i32 to index
      %parallel_loop3A_71 = tpu.vector_load %arg10[%parallel_loop3A_69, %parallel_loop3A_70] {strides = array<i32>} : memref<6x512xf32, #tpu.memory_space<vmem>>, vector<16xf32>,
      %parallel_loop3A_72 = arith.mulf %parallel_loop3A_51, %parallel_loop3A_71 : vector<16xf32>
      %parallel_loop3A_73 = arith.mulf %parallel_loop3A_55, %parallel_loop3A_67 : vector<16xf32>
      %parallel_loop3A_74 = arith.subf %parallel_loop3A_72, %parallel_loop3A_73 : vector<16xf32>
      %parallel_loop3A_75 = arith.mulf %parallel_loop3A_55, %parallel_loop3A_63 : vector<16xf32>
      %parallel_loop3A_76 = arith.mulf %parallel_loop3A_47, %parallel_loop3A_71 : vector<16xf32>
      %parallel_loop3A_77 = arith.subf %parallel_loop3A_75, %parallel_loop3A_76 : vector<16xf32>
      %parallel_loop3A_78 = arith.mulf %parallel_loop3A_47, %parallel_loop3A_67 : vector<16xf32>
      %parallel_loop3A_79 = arith.mulf %parallel_loop3A_51, %parallel_loop3A_63 : vector<16xf32>
      %parallel_loop3A_80 = arith.subf %parallel_loop3A_78, %parallel_loop3A_79 : vector<16xf32>
      %parallel_loop3A_81 = arith.mulf %parallel_loop3A_59, %parallel_loop3A_74 : vector<16xf32>
      %parallel_loop3A_82 = arith.mulf %parallel_loop3A_51, %parallel_loop3A_80 : vector<16xf32>
      %parallel_loop3A_83 = arith.mulf %parallel_loop3A_55, %parallel_loop3A_77 : vector<16xf32>
      %parallel_loop3A_84 = arith.subf %parallel_loop3A_82, %parallel_loop3A_83 : vector<16xf32>
      %parallel_loop3A_85 = arith.addf %parallel_loop3A_81, %parallel_loop3A_84 : vector<16xf32>
      %parallel_loop3A_86 = arith.mulf %parallel_loop3A_59, %parallel_loop3A_77 : vector<16xf32>
      %parallel_loop3A_87 = arith.mulf %parallel_loop3A_55, %parallel_loop3A_74 : vector<16xf32>
      %parallel_loop3A_88 = arith.mulf %parallel_loop3A_47, %parallel_loop3A_80 : vector<16xf32>
      %parallel_loop3A_89 = arith.subf %parallel_loop3A_87, %parallel_loop3A_88 : vector<16xf32>
      %parallel_loop3A_90 = arith.addf %parallel_loop3A_86, %parallel_loop3A_89 : vector<16xf32>
      %parallel_loop3A_91 = arith.mulf %parallel_loop3A_59, %parallel_loop3A_80 : vector<16xf32>
      %parallel_loop3A_92 = arith.mulf %parallel_loop3A_47, %parallel_loop3A_77 : vector<16xf32>
      %parallel_loop3A_93 = arith.mulf %parallel_loop3A_51, %parallel_loop3A_74 : vector<16xf32>
      %parallel_loop3A_94 = arith.subf %parallel_loop3A_92, %parallel_loop3A_93 : vector<16xf32>
      %parallel_loop3A_95 = arith.addf %parallel_loop3A_91, %parallel_loop3A_94 : vector<16xf32>
      %parallel_loop3A_96 = arith.constant 0 : i32
      %parallel_loop3A_97 = arith.index_cast %parallel_loop3A_96 : i32 to index
      %parallel_loop3A_98 = arith.index_cast %parallel_loop3A_24 : i32 to index
      %parallel_loop3A_99 = tpu.vector_load %arg10[%parallel_loop3A_97, %parallel_loop3A_98] {strides = array<i32>} : memref<6x512xf32, #tpu.memory_space<vmem>>, vector<16xf32>,
      %parallel_loop3A_100 = arith.addf %parallel_loop3A_99, %parallel_loop3A_35 : vector<16xf32>
      %parallel_loop3A_101 = arith.constant 0 : i32
      %parallel_loop3A_102 = arith.index_cast %parallel_loop3A_101 : i32 to index
      %parallel_loop3A_103 = arith.index_cast %parallel_loop3A_24 : i32 to index
      %parallel_loop3A_104 = tpu.vector_load %arg11[%parallel_loop3A_102, %parallel_loop3A_103] {strides = array<i32>} : memref<6x512xf32, #tpu.memory_space<vmem>>, vector<16xf32>,
      tpu.vector_store %arg11[%parallel_loop3A_102, %parallel_loop3A_103], %parallel_loop3A_100 {strides = array<i32>} : memref<6x512xf32, #tpu.memory_space<vmem>>, vector<16xf32>,
      %parallel_loop3A_105 = arith.constant 1 : i32
      %parallel_loop3A_106 = arith.index_cast %parallel_loop3A_105 : i32 to index
      %parallel_loop3A_107 = arith.index_cast %parallel_loop3A_24 : i32 to index
      %parallel_loop3A_108 = tpu.vector_load %arg10[%parallel_loop3A_106, %parallel_loop3A_107] {strides = array<i32>} : memref<6x512xf32, #tpu.memory_space<vmem>>, vector<16xf32>,
      %parallel_loop3A_109 = arith.addf %parallel_loop3A_108, %parallel_loop3A_39 : vector<16xf32>
      %parallel_loop3A_110 = arith.constant 1 : i32
      %parallel_loop3A_111 = arith.index_cast %parallel_loop3A_110 : i32 to index
      %parallel_loop3A_112 = arith.index_cast %parallel_loop3A_24 : i32 to index
      %parallel_loop3A_113 = tpu.vector_load %arg11[%parallel_loop3A_111, %parallel_loop3A_112] {strides = array<i32>} : memref<6x512xf32, #tpu.memory_space<vmem>>, vector<16xf32>,
      tpu.vector_store %arg11[%parallel_loop3A_111, %parallel_loop3A_112], %parallel_loop3A_109 {strides = array<i32>} : memref<6x512xf32, #tpu.memory_space<vmem>>, vector<16xf32>,
      %parallel_loop3A_114 = arith.constant 2 : i32
      %parallel_loop3A_115 = arith.index_cast %parallel_loop3A_114 : i32 to index
      %parallel_loop3A_116 = arith.index_cast %parallel_loop3A_24 : i32 to index
      %parallel_loop3A_117 = tpu.vector_load %arg10[%parallel_loop3A_115, %parallel_loop3A_116] {strides = array<i32>} : memref<6x512xf32, #tpu.memory_space<vmem>>, vector<16xf32>,
      %parallel_loop3A_118 = arith.addf %parallel_loop3A_117, %parallel_loop3A_43 : vector<16xf32>
      %parallel_loop3A_119 = arith.constant 2 : i32
      %parallel_loop3A_120 = arith.index_cast %parallel_loop3A_119 : i32 to index
      %parallel_loop3A_121 = arith.index_cast %parallel_loop3A_24 : i32 to index
      %parallel_loop3A_122 = tpu.vector_load %arg11[%parallel_loop3A_120, %parallel_loop3A_121] {strides = array<i32>} : memref<6x512xf32, #tpu.memory_space<vmem>>, vector<16xf32>,
      tpu.vector_store %arg11[%parallel_loop3A_120, %parallel_loop3A_121], %parallel_loop3A_118 {strides = array<i32>} : memref<6x512xf32, #tpu.memory_space<vmem>>, vector<16xf32>,
      %parallel_loop3A_123 = arith.constant 2.000000e+00 : f32
      %parallel_loop3A_124 = vector.broadcast %parallel_loop3A_123 : f32 to vector<16xf32>
      %parallel_loop3A_125 = arith.mulf %parallel_loop3A_124, %parallel_loop3A_85 : vector<16xf32>
      %parallel_loop3A_126 = arith.addf %parallel_loop3A_63, %parallel_loop3A_125 : vector<16xf32>
      %parallel_loop3A_127 = arith.constant 3 : i32
      %parallel_loop3A_128 = arith.index_cast %parallel_loop3A_127 : i32 to index
      %parallel_loop3A_129 = arith.index_cast %parallel_loop3A_24 : i32 to index
      %parallel_loop3A_130 = tpu.vector_load %arg11[%parallel_loop3A_128, %parallel_loop3A_129] {strides = array<i32>} : memref<6x512xf32, #tpu.memory_space<vmem>>, vector<16xf32>,
      tpu.vector_store %arg11[%parallel_loop3A_128, %parallel_loop3A_129], %parallel_loop3A_126 {strides = array<i32>} : memref<6x512xf32, #tpu.memory_space<vmem>>, vector<16xf32>,
      %parallel_loop3A_131 = arith.constant 2.000000e+00 : f32
      %parallel_loop3A_132 = vector.broadcast %parallel_loop3A_131 : f32 to vector<16xf32>
      %parallel_loop3A_133 = arith.mulf %parallel_loop3A_132, %parallel_loop3A_90 : vector<16xf32>
      %parallel_loop3A_134 = arith.addf %parallel_loop3A_67, %parallel_loop3A_133 : vector<16xf32>
      %parallel_loop3A_135 = arith.constant 4 : i32
      %parallel_loop3A_136 = arith.index_cast %parallel_loop3A_135 : i32 to index
      %parallel_loop3A_137 = arith.index_cast %parallel_loop3A_24 : i32 to index
      %parallel_loop3A_138 = tpu.vector_load %arg11[%parallel_loop3A_136, %parallel_loop3A_137] {strides = array<i32>} : memref<6x512xf32, #tpu.memory_space<vmem>>, vector<16xf32>,
      tpu.vector_store %arg11[%parallel_loop3A_136, %parallel_loop3A_137], %parallel_loop3A_134 {strides = array<i32>} : memref<6x512xf32, #tpu.memory_space<vmem>>, vector<16xf32>,
      %parallel_loop3A_139 = arith.constant 2.000000e+00 : f32
      %parallel_loop3A_140 = vector.broadcast %parallel_loop3A_139 : f32 to vector<16xf32>
      %parallel_loop3A_141 = arith.mulf %parallel_loop3A_140, %parallel_loop3A_95 : vector<16xf32>
      %parallel_loop3A_142 = arith.addf %parallel_loop3A_71, %parallel_loop3A_141 : vector<16xf32>
      %parallel_loop3A_143 = arith.constant 5 : i32
      %parallel_loop3A_144 = arith.index_cast %parallel_loop3A_143 : i32 to index
      %parallel_loop3A_145 = arith.index_cast %parallel_loop3A_24 : i32 to index
      %parallel_loop3A_146 = tpu.vector_load %arg11[%parallel_loop3A_144, %parallel_loop3A_145] {strides = array<i32>} : memref<6x512xf32, #tpu.memory_space<vmem>>, vector<16xf32>,
      tpu.vector_store %arg11[%parallel_loop3A_144, %parallel_loop3A_145], %parallel_loop3A_142 {strides = array<i32>} : memref<6x512xf32, #tpu.memory_space<vmem>>, vector<16xf32>,
    } {sc.loop_unroll_factor = 2 : i64, sc.parallel_access}
    "tpu.region"() ({
      %run_scoped3A = tpu.sem_alloc : memref<!tpu.dma_semaphore, #tpu.memory_space<semaphore_mem>>
      %dma_start3A_22 = arith.constant 0 : i32
      %dma_start3A_23 = tpu.memref_slice %arg6[%dma_start3A_22, %mul3A_2] : memref<6x16384xf32, #tpu.memory_space<hbm>> -> memref<6x512xf32, #tpu.memory_space<hbm>>
      %dma_start3A_24 = arith.constant 0 : i32
      %dma_start3A_25 = tpu.memref_slice %arg6[%dma_start3A_24, %mul3A_2] : memref<6x16384xf32, #tpu.memory_space<hbm>> -> memref<6x512xf32, #tpu.memory_space<hbm>>
      tpu.enqueue_dma source(%arg11 : memref<6x512xf32, #tpu.memory_space<vmem>>) target(%dma_start3A_25 : memref<6x512xf32, #tpu.memory_space<hbm>>) target_semaphore(%run_scoped3A : memref<!tpu.dma_semaphore, #tpu.memory_space<semaphore_mem>>)
      %dma_wait3A_26 = arith.constant 0 : i32
      %dma_wait3A_27 = tpu.memref_slice %arg6[%dma_wait3A_26, %mul3A_2] : memref<6x16384xf32, #tpu.memory_space<hbm>> -> memref<6x512xf32, #tpu.memory_space<hbm>>
      %dma_wait3A_28 = arith.constant 0 : i32
      %dma_wait3A_29 = tpu.memref_slice %arg6[%dma_wait3A_28, %mul3A_2] : memref<6x16384xf32, #tpu.memory_space<hbm>> -> memref<6x512xf32, #tpu.memory_space<hbm>>
      tpu.wait_dma2 semaphore(%run_scoped3A : memref<!tpu.dma_semaphore, #tpu.memory_space<semaphore_mem>>) src(%arg11 : memref<6x512xf32, #tpu.memory_space<vmem>>) dst(%dma_wait3A_29 : memref<6x512xf32, #tpu.memory_space<hbm>>)
      tpu.yield
    }) : () -> ()
    return
  }
}

</mosaic_0001>

<sc_bundles>
// kernel: kernel.3.cloned.1.call-start
scs
__scs_entry_jumppad:
0x0: {  	(pc) =	sbr.rel $0x88, $3  }
0x1: {  	(tag) =	ssettag $0x0;
	lr =	simm.s32 $0x1  }
0x2: {  	[smem:$0x3F9D] =	sst lr;
	_ =	strace $0xD0000000  }
0x3: {  	_ = 	snop  }
0x4: {  	_ = 	snop  }
0x5: {  	_ = 	snop  }
0x6: {  	_ = 	snop  }
0x7: {  	_ = 	snop  }
__scs_overlays_trampoline_lowered:
0x8: {  	[smem:$0x3FAC] =	sst s0  }
0x9: {  	[smem:$0x3FAD] =	sst s1  }
0xa: {  	[smem:$0x3FAE] =	sst s2  }
0xb: {  	[smem:$0x3FAF] =	sst s3  }
0xc: {  	[smem:$0x3FB0] =	sst s4  }
0xd: {  	[smem:$0x3FB1] =	sst s5  }
0xe: {  	[smem:$0x3FB2] =	sst s6  }
0xf: {  	[smem:$0x3FB3] =	sst s7  }
0x10: {  	[smem:$0x3FB4] =	sst s8  }
0x11: {  	[smem:$0x3FB5] =	sst s9;
	s0 =	simm.s32 @!p0 $0x0  }
0x12: {  	s1 =	sld [smem:$0x3F9B];
	s0 =	simm.s32 @p0 $0x1  }
0x13: {  	[smem:$0x3FB6] =	sst s0;
	s0 =	simm.s32 @!p1 $0x0  }
0x14: {  	s2 =	sld [smem:$0x3F9A];
	s0 =	simm.s32 @p1 $0x1  }
0x15: {  	[smem:$0x3FB7] =	sst s0;
	s0 =	simm.s32 @!p2 $0x0  }
0x16: {  	s3 =	sld [smem:$0x3FDB];
	s0 =	simm.s32 @p2 $0x1  }
0x17: {  	s4 =	simm.s32 $0x1BF5;
	[smem:$0x3FB9] =	sst s0  }
0x18: {  	s0 =	sld [smem:$0x3F9C];
	_ =	swait.ge [sflag:s4], $0x0  }
0x19: {  	s7 =	sld [smem:$0x3F9D]  }
0x1a: {  	s8 =	sadd.s32 $0xFFFFE003, lr  }
0x1b: {  	s9 =	sadd.s32 $0xFFFFFEF7, lr;
	s5 =	simm.s32 $0xFFFFFFFF;
	p2 =	slt.u32 s8, $0xFFFFF086  }
0x1c: {  	p1 =	slt.u32 s9, $0xF7A;
	s5 =	simm.s32 @!p2 $0x0  }
0x1d: {  	s5 =	simm.s32 @p1 $0x1;
	p0 =	seq.s32 s7, s2  }
0x1e: {  	s7 =	smul.u32 @!p0 $0xF7A, s2;
	p2 =	seq.s32 @!p0 s5, $0x0  }
0x1f: {  	s9 =	smul.u32 $0xF7A, s1;
	s8 =	simm.s32 @!p0 $0x1BF5;
	p2 =	por !p2, p0  }
0x20: {  	[sflag:s8] =	ssyncset.s32 @!p0 $0xFFFFF086;
	s6 =	sadd.s32 @!p0 s3, s7;
	s7 =	simm.s32 @!p0 $0x108  }
0x21: {  	s3 =	sadd.s32 s3, s9;
	s6 =	sadd.s32 @!p0 $0x88, s6;
	s7 =	simm.s32 @p2 $0x1082  }
0x22: {  	[simem:s7], [sflag:s8] =	dma.local @!p0 [hbm:s6], $0xF7A  }
0x23: {  	s9 =	sor.u32 $0xD0000000, s2;
	s6 =	simm.s32 $0x108;
	_ =	swait.ge @!p0 [sflag:s8], $0x0  }
0x24: {  	s3 =	sadd.s32 $0x88, s3;
	s6 =	simm.s32 @!p1 $0x1082;
	[sflag:s4] =	ssyncset.s32 $0xFFFFF086  }
0x25: {  	[simem:s6], [sflag:s4] =	dma.local [hbm:s3], $0xF7A  }
0x26: {  	[smem:$0x3F9D] =	sst s1;
	(tag) =	ssettag s2;
	_ =	strace s9  }
0x27: {  	s1 =	sld [smem:$0x3FAD]  }
0x28: {  	s2 =	sld [smem:$0x3FAE]  }
0x29: {  	s4 =	sld [smem:$0x3FB0]  }
0x2a: {  	p0 =	seq.s32 s5, $0x0;
	s5 =	sld [smem:$0x3FB1]  }
0x2b: {  	s6 =	sld [smem:$0x3FB2]  }
0x2c: {  	s7 =	sld [smem:$0x3FB3]  }
0x2d: {  	s3 =	simm.s32 $0x108;
	s8 =	sld [smem:$0x3FB4]  }
0x2e: {  	s3 =	simm.s32 @!p0 $0x1082;
	s9 =	sld [smem:$0x3FB5]  }
0x2f: {  	lr =	sadd.s32 s0, s3;
	s0 =	sld [smem:$0x3FAC]  }
0x30: {  	s3 =	sld [smem:$0x3FAF]  }
0x31: {  	[smem:$0x3FB8] =	sst s10  }
0x32: {  	s10 =	sld [smem:$0x3FB6];
	_ =	sdelay $0x3  }
0x33: {  	p0 =	seq.s32 s10, $0x1;
	s10 =	sld [smem:$0x3FB8];
	_ =	sdelay $0x3  }
0x34: {  	[smem:$0x3FB8] =	sst s10  }
0x35: {  	s10 =	sld [smem:$0x3FB7];
	_ =	sdelay $0x3  }
0x36: {  	p1 =	seq.s32 s10, $0x1;
	s10 =	sld [smem:$0x3FB8];
	_ =	sdelay $0x3  }
0x37: {  	[smem:$0x3FB8] =	sst s10  }
0x38: {  	s10 =	sld [smem:$0x3FB9]  }
0x39: {  	_ = 	snop;
	(pc) =	sbr.ind lr, $3  }
0x3a: {  	_ = 	snop  }
0x3b: {  	_ = 	snop  }
0x3c: {  	p2 =	seq.s32 s10, $0x1;
	s10 =	sld [smem:$0x3FB8]  }
0x3d: {  	_ =	shalt  }
0x3e: {  	_ =	shalt  }
0x3f: {  	_ =	shalt  }
0x40: {  	_ =	shalt  }
0x41: {  	_ =	shalt  }
0x42: {  	_ =	shalt  }
0x43: {  	_ =	shalt  }
0x44: {  	_ =	shalt  }
0x45: {  	_ =	shalt  }
0x46: {  	_ =	shalt  }
0x47: {  	_ =	shalt  }
0x48: {  	_ =	shalt  }
0x49: {  	_ =	shalt  }
0x4a: {  	_ =	shalt  }
0x4b: {  	_ =	shalt  }
0x4c: {  	_ =	shalt  }
0x4d: {  	_ =	shalt  }
0x4e: {  	_ =	shalt  }
0x4f: {  	_ =	shalt  }
0x50: {  	_ =	shalt  }
0x51: {  	_ =	shalt  }
0x52: {  	_ =	shalt  }
0x53: {  	_ =	shalt  }
0x54: {  	_ =	shalt  }
0x55: {  	_ =	shalt  }
0x56: {  	_ =	shalt  }
0x57: {  	_ =	shalt  }
0x58: {  	_ =	shalt  }
0x59: {  	_ =	shalt  }
0x5a: {  	_ =	shalt  }
0x5b: {  	_ =	shalt  }
0x5c: {  	_ =	shalt  }
0x5d: {  	_ =	shalt  }
0x5e: {  	_ =	shalt  }
0x5f: {  	_ =	shalt  }
0x60: {  	_ =	shalt  }
0x61: {  	_ =	shalt  }
0x62: {  	_ =	shalt  }
0x63: {  	_ =	shalt  }
0x64: {  	_ =	shalt  }
0x65: {  	_ =	shalt  }
0x66: {  	_ =	shalt  }
0x67: {  	_ =	shalt  }
0x68: {  	_ =	shalt  }
0x69: {  	_ =	shalt  }
0x6a: {  	_ =	shalt  }
0x6b: {  	_ =	shalt  }
0x6c: {  	_ =	shalt  }
0x6d: {  	_ =	shalt  }
0x6e: {  	_ =	shalt  }
0x6f: {  	_ =	shalt  }
0x70: {  	_ =	shalt  }
0x71: {  	_ =	shalt  }
0x72: {  	_ =	shalt  }
0x73: {  	_ =	shalt  }
0x74: {  	_ =	shalt  }
0x75: {  	_ =	shalt  }
0x76: {  	_ =	shalt  }
0x77: {  	_ =	shalt  }
0x78: {  	_ =	shalt  }
0x79: {  	_ =	shalt  }
0x7a: {  	_ =	shalt  }
0x7b: {  	_ =	shalt  }
0x7c: {  	_ =	shalt  }
0x7d: {  	_ =	shalt  }
0x7e: {  	_ =	shalt  }
0x7f: {  	_ =	shalt  }
0x80: {  	_ =	shalt  }
0x81: {  	_ =	shalt  }
0x82: {  	_ =	shalt  }
0x83: {  	_ =	shalt  }
0x84: {  	_ =	shalt  }
0x85: {  	_ =	shalt  }
0x86: {  	_ =	shalt  }
0x87: {  	_ =	shalt  }
.Lfunc_end0:
.L_simem_size_0:
called_computation_lowered:
.L_overlay_start_0:
0x88: {  	s2 =	sld [smem:$0x3FD9]  }
0x89: {  	s3 =	sld [smem:$0x3FFE];
	_ =	sdelay $0x1  }
0x8a: {  	s1 =	srdreg.scid  }
0x8b: {  	s0 =	sand.u32 $0x1, s1  }
0x8c: {  	s18 =	sshll.u32 s0, $0xA;
	s2 =	sadd.s32 s3, s2  }
0x8d: {  	s2 =	sadd.s32 s2, s18  }
0x8e: {  	[smem:$0x3FC4] =	sst s2  }
0x8f: {  	_ = 	snop  }
0x90: {  	s2 =	sld [smem:$0x3FC9]  }
0x91: {  	s19 =	sld [smem:$0x3FC8]  }
0x92: {  	s4 =	sld [smem:$0x3FC7]  }
0x93: {  	s5 =	sld [smem:$0x3FC6]  }
0x94: {  	s6 =	sld [smem:$0x3FD0];
	(tm) =	ssettm $0x1  }
0x95: {  	s7 =	sld [smem:$0x3FFB];
	_ =	sdelay $0x3  }
0x96: {  	_ =	strace s7  }
0x97: {  	s7 =	sld [smem:$0x3FFC];
	_ =	sdelay $0x3  }
0x98: {  	_ =	strace s7  }
0x99: {  	s7 =	sld [smem:$0x3FFD];
	_ =	sdelay $0x3  }
0x9a: {  	_ =	strace s7  }
0x9b: {  	_ =	strace $0x8FFFFFFF  }
0x9c: {  	s20 =	sld [smem:$0x3FDB];
	_ =	sdelay $0x1  }
0x9d: {  	s8 =	simm.s32 $_scs_section_size  }
0x9e: {  	s9 =	simm.s32 $_size__tile_overlayer_lowered;
	s10 =	simm.s32 $_tile_overlayer_lowered  }
0x9f: {  	s23 =	simm.s32 $0x1BFF;
	s22 =	sshll.u32 s10, $0x1;
	s7 =	sadd.s32 s8, s20  }
0xa0: {  	s11 =	simm.s32 $0x0;
	s21 =	sshll.u32 s9, $0x1;
	s9 =	sadd.s32 s22, s7  }
0xa1: {  	[timem:s11], [sflag:s23] =	dma.local [hbm:s9], s21  }
0xa2: {  	_ =	swait.ge [sflag:s23], s21  }
0xa3: {  	s8 =	ssub.s32 $0x0, s21;
	[sflag:s23] =	ssyncset.done $0x0  }
0xa4: {  	[sflag:s23] =	ssyncadd.s32 s8;
	_ =	sdelay $0x1  }
0xa5: {  	s24 =	simm.s32 $0x1B8B  }
0xa6: {  	_ =	swait.ge [sflag:s24], $0x1  }
0xa7: {  	[sflag:s24] =	ssyncset.done $0x0  }
0xa8: {  	s25 =	simm.s32 $0x1B8E;
	[sflag:s24] =	ssyncadd.s32 $0xFFFFFFFF  }
0xa9: {  	s26 =	simm.s32 $execute0_lowered;
	[smem:$0x3FD2] =	sst s25  }
0xaa: {  	s8 =	sshll.u32 s26, $0x1;
	_ =	strace $0x80000046;
	[dreg:$0x1] =	wrdreg $0xFFFFFFFF  }
0xab: {  	s28 =	simm.s32 $_size_execute0_lowered;
	s7 =	sadd.s32 s7, s8;
	[dreg:$0x0] =	wrdreg $0x0  }
0xac: {  	s8 =	sshll.u32 s28, $0x1;
	[dreg:$0x2] =	wrdreg s7  }
0xad: {  	[dreg:$0x3] =	wrdreg s8  }
0xae: {  	[dreg:$0x4] =	wrdreg $0xC0  }
0xaf: {  	_ =	task [dreg:s11], $0x5FFFF  }
0xb0: {  	[dreg:$0x1] =	wrdreg $0xFFFFFFFF  }
0xb1: {  	[dreg:$0x0] =	wrdreg $0x60  }
0xb2: {  	[dreg:$0x2] =	wrdreg s5  }
0xb3: {  	[dreg:$0x3] =	wrdreg s2  }
0xb4: {  	[dreg:$0x4] =	wrdreg s4  }
0xb5: {  	[dreg:$0x5] =	wrdreg s19  }
0xb6: {  	[dreg:$0x6] =	wrdreg s6  }
0xb7: {  	[dreg:$0x7] =	wrdreg $0x9  }
0xb8: {  	_ =	task.clear_ibuf [dreg:s11], $0x8FFFF;
	_ =	strace $0x90000046  }
0xb9: {  	s29 =	simm.s32 $0x9;
	_ =	strace $0x80000048  }
0xba: {  	_ =	swait.ge [sflag:s29], $0x1  }
0xbb: {  	[sflag:s29] =	ssyncadd.s32 $0xFFFFFFFF  }
0xbc: {  	_ =	strace $0x90000048  }
0xbd: {  	_ =	sfence  }
0xbe: {  	s30 =	sld [smem:$0x0];
	_ =	sdelay $0x2  }
0xbf: {  	s31 =	sshll.u32 s1, $0xD;
	s1 =	sshrl.u32 s1, $0x2  }
0xc0: {  	s3 =	sand.u32 $0x4000, s31;
	s1 =	sadd.s32 s1, s30  }
0xc1: {  	s0 =	sor.u32 s3, s0;
	s1 =	sshll.u32 s1, $0x11  }
0xc2: {  	s0 =	sor.u32 s1, s0  }
0xc3: {  	s0 =	sadd.s32 $0x8F2B, s0  }
0xc4: {  	[sflag:s0] =	ssyncadd.remote.s32 $0x1  }
0xc5: {  	_ =	sfence.sel $0xFFFF  }
0xc6: {  	[dreg:$0x0] =	wrdreg $0xFFFFFFFF;
	(pc) =	sbr.abs _section_cstart, $3  }
0xc7: {  	[dreg:$0x1] =	wrdreg $0xFFFFFFFF  }
0xc8: {  	_ =	task.clear_ibuf [dreg:s11], $0x2FFFF;
	_ =	strace $0x9FFFFFFF  }
0xc9: {  	(tm) =	ssettm $0x7FFFFFFF  }
tec
execute0_lowered:
.L_overlay_start_1:
0x0: {  	(tag) =	ssettag $0x1  }
0x1: {  	s0 =	rddreg [dreg:$0x0]  }
0x2: {  	s4 =	rddreg [dreg:$0x1]  }
0x3: {  	s5 =	rddreg [dreg:$0x2]  }
0x4: {  	s6 =	rddreg [dreg:$0x3];
	s1 =	srdreg.scid  }
0x5: {  	s7 =	rddreg [dreg:$0x4];
	s2 =	stileid.u32;
	s3 =	simm.s32 $0x0  }
0x6: {  	s12 =	simm.s32 $0x3;
	s13 =	simm.s32 $0x4;
	s14 =	simm.s32 $0x3400  }
0x7: {  	s15 =	simm.s32 $0x5;
	s8 =	sand.u32 $0x1, s1;
	s1 =	rddreg [dreg:$0x5]  }
0x8: {  	s16 =	simm.s32 $0x0;
	s9 =	sshll.u32 s2, $0xA;
	[smem:$0x7FF] =	sst s3  }
0x9: {  	s10 =	sshll.u32 s8, $0x9;
	s8 =	ssub.s32 $0x2, s8;
	_ =	strace $0x80000047  }
0xa: {  	s9 =	sor.u32 s10, s9;
	s31 =	sshrl.u32 s8, $0x1;
	s10 =	simm.s32 $0x1  }
0xb: {  	s11 =	sshrl.u32 s9, $0x3;
	s8 =	ssub.s32 s8, s31;
	s6 =	sadd.s32 s6, s9  }
0xc: {  	s7 =	sadd.s32 s7, s9;
	s9 =	simm.s32 $0x2400;
	s4 =	sadd.s32 s4, s11  }
0xd: {  	s5 =	sadd.s32 s5, s11;
	s8 =	smax.u32 s8, $0x1;
	s11 =	simm.s32 $0x2  }
.LBB2_1:
0xe: {  	[tilespmem:s3], [sflag:$0x1] =	stream.linear.gather [hbm4b:s0+s3], $0x2000, $0x38;
	[tilespmem:$0x4400] =	vst v63  }
0xf: {  	s17 =	simm.s32 $0x2000  }
0x10: {  	[tilespmem:s17], [sflag:$0x2] =	stream.linear.gather [hbm4b:s4+s3], $0x200, $0x38;
	[tilespmem:$0x4400] =	vst v63  }
0x11: {  	s18 =	simm.s32 $0x2200  }
0x12: {  	[tilespmem:s18], [sflag:$0x3] =	stream.linear.gather [hbm4b:s5+s3], $0x200, $0x38;
	[tilespmem:$0x4400] =	vst v63  }
0x13: {  	_ = 	snop  }
0x14: {  	[tilespmem:s9], [sflag:$0x4] =	stream.linear.gather [hbm4b:s6+s3], $0x1000, $0x38;
	[tilespmem:$0x4400] =	vst v63  }
0x15: {  	_ =	swait.ge [sflag:s10], $0x2000  }
0x16: {  	[sflag:s10] =	ssyncset.done $0x0  }
0x17: {  	[sflag:s10] =	ssyncadd.s32 $0xFFFFE000  }
0x18: {  	_ =	swait.ge [sflag:s11], $0x200  }
0x19: {  	[sflag:s11] =	ssyncset.done $0x0  }
0x1a: {  	[sflag:s11] =	ssyncadd.s32 $0xFFFFFE00  }
0x1b: {  	_ =	swait.ge [sflag:s12], $0x200  }
0x1c: {  	[sflag:s12] =	ssyncset.done $0x0  }
0x1d: {  	[sflag:s12] =	ssyncadd.s32 $0xFFFFFE00  }
0x1e: {  	_ =	swait.ge [sflag:s13], $0x1000  }
0x1f: {  	[sflag:s13] =	ssyncset.done $0x0  }
0x20: {  	[sflag:s13] =	ssyncadd.s32 $0xFFFFF000  }
0x21: {  	v0 =	vld [tilespmem:s17+$0x0]  }
0x22: {  	s19 =	sand.u32 $0x60, s3  }
0x23: {  	s20 =	sand.u32 $0x180, s3;
	s25 =	sor.u32 $0x10, s19  }
0x24: {  	s20 =	sor.u32 s20, s25  }
0x25: {  	s24 =	simm.s32 $0x20;
	v1 =	vld [tilespmem:s20+$0x2000]  }
0x26: {  	s21 =	sand.u32 $0x60, s24;
	v5 =	vld [tilespmem:s18+$0x0];
	v2 =	vshll.u32 v0, $0x3  }
0x27: {  	s30 =	simm.s32 $0x2020;
	s22 =	sand.u32 $0x180, s24;
	s31 =	sor.u32 $0x10, s21;
	v6 =	vld [tilespmem:s20+$0x2200];
	v0 =	vand.u32 $0x7F, v0;
	v2 =	vand.u32 $0xFFFFFC00, v2  }
0x28: {  	s23 =	sor.u32 s22, s31;
	s22 =	simm.s32 $0x2220;
	v26 =	vld [tilespmem:s30+$0x0];
	v3 =	vor.u32 v0, v2  }
0x29: {  	s26 =	sand.u32 $0xC00, s3;
	v35 =	vld [tilespmem:s22+$0x0];
	v2 =	vor.u32 $0x180, v3  }
0x2a: {  	s17 =	sor.u32 s26, s25;
	v39 =	vld [tilespmem:s23+$0x2200];
	v10 =	vor.u32 $0x80, v3  }
0x2b: {  	v13 =	vld [tilespmem:s17+$0x2480]  }
0x2c: {  	s18 =	sor.u32 s19, s26;
	v32 =	vld [tilespmem:s17+$0x2400];
	v0 =	vshll.u32 v1, $0x3;
	v21 =	vor.u32 $0x100, v3  }
0x2d: {  	v33 =	vld [tilespmem:s18+$0x2500];
	v1 =	vand.u32 $0x7F, v1;
	v0 =	vand.u32 $0xFFFFFC00, v0  }
0x2e: {  	v4 =	vor.u32 v1, v0;
	v8 =	vld.idx.msk [tilespmem:v2+s3+$0x0], $0xffff  }
0x2f: {  	v0 =	vor.u32 $0x200, v3;
	v16 =	vld.idx.msk [tilespmem:v10+s3+$0x0], $0xffff  }
0x30: {  	v1 =	vor.u32 $0x280, v3;
	v10 =	vld [tilespmem:s18+$0x2600]  }
0x31: {  	v7 =	vor.u32 $0x80, v4;
	v21 =	vld.idx.msk [tilespmem:v21+s3+$0x0], $0xffff  }
0x32: {  	v2 =	vor.u32 $0x300, v3;
	v3 =	vld.idx.msk [tilespmem:v3+s3+$0x0], $0xffff  }
0x33: {  	v18 =	vor.u32 $0x100, v4;
	v9 =	vld.idx.msk [tilespmem:v4+s3+$0x0], $0xffff  }
0x34: {  	v20 =	vor.u32 $0x300, v4;
	v11 =	vld.idx.msk [tilespmem:v0+s3+$0x0], $0xffff  }
0x35: {  	v12 =	vld.idx.msk [tilespmem:v1+s3+$0x0], $0xffff  }
0x36: {  	v0 =	vor.u32 $0x200, v4;
	v14 =	vld.idx.msk [tilespmem:v7+s3+$0x0], $0xffff  }
0x37: {  	v1 =	vor.u32 $0x180, v4;
	v7 =	vld [tilespmem:s18+$0x2680]  }
0x38: {  	vm1 =	veq.s32 v5, $0x1;
	v5 =	vld.idx.msk [tilespmem:v18+s3+$0x0], $0xffff  }
0x39: {  	v4 =	vor.u32 $0x280, v4;
	v20 =	vld.idx.msk [tilespmem:v20+s3+$0x0], $0xffff  }
0x3a: {  	v15 =	vld.idx.msk [tilespmem:v2+s3+$0x0], $0xffff  }
0x3b: {  	s29 =	sor.u32 s26, s3;
	vm0 =	veq.s32 v6, $0x1;
	v17 =	vld.idx.msk [tilespmem:v0+s3+$0x0], $0xffff  }
0x3c: {  	s19 =	sor.u32 $0x180, s29;
	v18 =	vnsel vm1, $0x0, v8;
	v16 =	vnsel vm1, $0x0, v16;
	v21 =	vnsel vm1, $0x0, v21;
	v19 =	vld.idx.msk [tilespmem:v1+s3+$0x0], $0xffff  }
0x3d: {  	v3 =	vnsel vm1, $0x0, v3;
	v1 =	vld [tilespmem:s19+$0x2400];
	v9 =	vnsel vm0, $0x0, v9;
	v11 =	vnsel vm1, $0x0, v11  }
0x3e: {  	v12 =	vnsel vm1, $0x0, v12;
	v4 =	vld.idx.msk [tilespmem:v4+s3+$0x0], $0xffff;
	v43 =	vadd.f32 v33, v21;
	v8 =	vmul.f32 v7, v18  }
0x3f: {  	v6 =	vld [tilespmem:s18+$0x2480];
	v24 =	vmul.f32 v7, v11;
	v31 =	vmul.f32 v10, v12;
	v5 =	vnsel vm0, $0x0, v5  }
0x40: {  	v14 =	vnsel vm0, $0x0, v14;
	v32 =	vadd.f32 v32, v9;
	v23 =	vnsel vm0, $0x0, v17;
	v17 =	vld [tilespmem:s17+$0x2500]  }
0x41: {  	v2 =	vld [tilespmem:s17+$0x2680];
	v20 =	vnsel vm0, $0x3F800000, v20;
	v14 =	vadd.f32 v13, v14;
	v15 =	vnsel vm1, $0x3F800000, v15  }
0x42: {  	v30 =	vld [tilespmem:s23+$0x2000];
	vm1 =	veq.s32 v35, $0x1;
	v27 =	vmul.f32 v1, v11;
	v28 =	vmul.f32 v1, v12  }
0x43: {  	v29 =	vnsel vm0, $0x0, v19;
	v19 =	vmul.f32 v10, v18;
	v55 =	vnsel vm0, $0x0, v4  }
0x44: {  	v0 =	vld [tilespmem:s17+$0x2580];
	v28 =	vsub.f32 v28, v8;
	v8 =	vadd.f32 v6, v16;
	v6 =	vshll.u32 v26, $0x3  }
0x45: {  	v26 =	vand.u32 $0x7F, v26;
	v6 =	vand.u32 $0xFFFFFC00, v6;
	v5 =	vadd.f32 v17, v5;
	v17 =	vld [tilespmem:s18+$0x2400]  }
0x46: {  	vm0 =	veq.s32 v39, $0x1;
	v22 =	vmul.f32 v2, v23;
	v6 =	vor.u32 v26, v6  }
0x47: {  	s23 =	simm.s32 $0x100;
	v19 =	vsub.f32 v19, v27;
	v26 =	vor.u32 $0x180, v6;
	[tilespmem:s17+$0x3500] =	vst v5;
	v5 =	vshll.u32 v30, $0x3  }
0x48: {  	s25 =	sand.u32 $0xC00, s23;
	v27 =	vor.u32 $0x300, v6;
	v30 =	vand.u32 $0x7F, v30;
	v5 =	vand.u32 $0xFFFFFC00, v5  }
0x49: {  	s20 =	sor.u32 s25, s31;
	v25 =	vmul.f32 v0, v23;
	v16 =	vsub.f32 v24, v31;
	v30 =	vor.u32 v30, v5  }
0x4a: {  	v9 =	vld [tilespmem:s20+$0x2480];
	v24 =	vmul.f32 v28, v12;
	v34 =	vadd.f32 v17, v3;
	v3 =	vor.u32 $0x200, v6  }
0x4b: {  	v31 =	vmul.f32 v28, v15;
	[tilespmem:s18+$0x3480] =	vst v8;
	v8 =	vmul.f32 v16, v15;
	v21 =	vor.u32 $0x80, v6;
	v5 =	vld [tilespmem:s17+$0x2600]  }
0x4c: {  	v28 =	vmul.f32 v28, v18;
	v18 =	vmul.f32 v19, v18;
	v36 =	vor.u32 $0x280, v6;
	v13 =	vld.idx.msk [tilespmem:v26+s3+$0x0], $0xffff  }
0x4d: {  	v15 =	vmul.f32 v19, v15;
	v44 =	vor.u32 $0x100, v6;
	v37 =	vor.u32 $0x180, v30;
	v56 =	vld.idx.msk [tilespmem:v27+s3+$0x0], $0xffff  }
0x4e: {  	v38 =	vor.u32 $0x200, v30;
	v40 =	vor.u32 $0x80, v30;
	v26 =	vmul.f32 v19, v11;
	v42 =	vld.idx.msk [tilespmem:v30+s3+$0x0], $0xffff  }
0x4f: {  	v17 =	vor.u32 $0x300, v30;
	v11 =	vmul.f32 v16, v11;
	v54 =	vld.idx.msk [tilespmem:v3+s3+$0x0], $0xffff;
	v3 =	vmul.f32 v16, v12  }
0x50: {  	v41 =	vor.u32 $0x100, v30;
	v27 =	vld.idx.msk [tilespmem:v21+s3+$0x0], $0xffff;
	v21 =	vmul.f32 v2, v29;
	v4 =	vmul.f32 v5, v55  }
0x51: {  	v12 =	vor.u32 $0x280, v30;
	v30 =	vld.idx.msk [tilespmem:v36+s3+$0x0], $0xffff;
	v3 =	vsub.f32 v3, v18;
	v18 =	vsub.f32 v28, v11  }
0x52: {  	v26 =	vsub.f32 v26, v24;
	v16 =	vnsel vm1, $0x0, v13;
	v60 =	vld.idx.msk [tilespmem:v37+s3+$0x0], $0xffff;
	v28 =	vsub.f32 v22, v4  }
0x53: {  	v24 =	vld.idx.msk [tilespmem:v40+s3+$0x0], $0xffff;
	v4 =	vmul.f32 v0, v55;
	v22 =	vadd.f32 v3, v31;
	v13 =	vadd.f32 v18, v15  }
0x54: {  	v58 =	vld.idx.msk [tilespmem:v38+s3+$0x0], $0xffff;
	v19 =	vnsel vm0, $0x0, v42;
	v31 =	vmul.f32 v5, v29;
	v57 =	vmul.f32 v28, v55  }
0x55: {  	s21 =	sor.u32 s21, s25;
	v3 =	vld [tilespmem:s20+$0x2680];
	v21 =	vsub.f32 v4, v21;
	v59 =	vmul.f32 v28, v23;
	v28 =	vmul.f32 v28, v20  }
0x56: {  	v4 =	vld [tilespmem:s21+$0x2680];
	v18 =	vnsel vm1, $0x0, v30;
	v30 =	vadd.f32 v13, v13;
	v31 =	vsub.f32 v31, v25  }
0x57: {  	s24 =	sor.u32 s25, s24;
	[tilespmem:s17+$0x3480] =	vst v14;
	v11 =	vld.idx.msk [tilespmem:v12+s3+$0x0], $0xffff;
	v15 =	vnsel vm1, $0x0, v54;
	v14 =	vnsel vm0, $0x0, v60;
	v25 =	vadd.f32 v22, v22  }
0x58: {  	s24 =	sor.u32 $0x180, s24;
	v12 =	vld [tilespmem:s20+$0x2580];
	v36 =	vmul.f32 v21, v55;
	v22 =	vadd.f32 v30, v7;
	v7 =	vmul.f32 v31, v23  }
0x59: {  	v63 =	vmul.f32 v21, v20;
	v61 =	vmul.f32 v31, v29;
	v25 =	vadd.f32 v25, v10;
	v23 =	vld [tilespmem:s24+$0x2400]  }
0x5a: {  	v30 =	vmul.f32 v31, v20;
	v29 =	vmul.f32 v21, v29;
	v31 =	vsub.f32 v7, v36;
	v7 =	vld [tilespmem:s21+$0x2600]  }
0x5b: {  	[tilespmem:s18+$0x3400] =	vst v34;
	v34 =	vld.idx.msk [tilespmem:v41+s3+$0x0], $0xffff;
	v10 =	vnsel vm0, $0x0, v58;
	v35 =	vmul.f32 v4, v16;
	v62 =	vsub.f32 v57, v61  }
0x5c: {  	[tilespmem:s18+$0x3500] =	vst v43;
	v37 =	vld [tilespmem:s21+$0x2480];
	v21 =	vmul.f32 v3, v10;
	v36 =	vsub.f32 v29, v59;
	v29 =	vadd.f32 v31, v28  }
0x5d: {  	[tilespmem:s17+$0x3400] =	vst v32;
	v38 =	vld [tilespmem:s20+$0x2500];
	v13 =	vnsel vm1, $0x3F800000, v56;
	v33 =	vmul.f32 v4, v15;
	v20 =	vmul.f32 v12, v10  }
0x5e: {  	s28 =	simm.s32 $0x2040;
	s26 =	simm.s32 $0x40;
	s25 =	simm.s32 $0x2;
	v32 =	vadd.f32 v62, v63;
	v31 =	vld.idx.msk [tilespmem:v44+s3+$0x0], $0xffff;
	v28 =	vmul.f32 v23, v15;
	v29 =	vadd.f32 v29, v29  }
.LBB2_2:
0x5f: {  	s29 =	sand.u32 $0x60, s26;
	v39 =	vld [tilespmem:s28+$0x0];
	s25 =	sadd.s32 $0x2, s25;
	v40 =	vmul.f32 v23, v18;
	v41 =	vmul.f32 v7, v16;
	v8 =	vadd.f32 v26, v8  }
0x60: {  	s31 =	sand.u32 $0x180, s26;
	v26 =	vnsel vm1, $0x0, v27;
	v27 =	vmul.f32 v7, v18;
	s30 =	sor.u32 $0x10, s29;
	p0 =	slt.u32 s25, $0x1E;
	v42 =	vld.idx.msk [tilespmem:v17+s3+$0x0], $0xffff;
	v17 =	vadd.f32 v36, v30  }
0x61: {  	s31 =	sor.u32 s31, s30;
	v30 =	vld.idx.msk [tilespmem:v6+s3+$0x0], $0xffff;
	v35 =	vsub.f32 v40, v35;
	v6 =	vadd.f32 v37, v26;
	v26 =	vnsel vm0, $0x0, v34  }
0x62: {  	v24 =	vnsel vm0, $0x0, v24;
	v36 =	vadd.f32 v8, v8;
	v34 =	vld [tilespmem:s31+$0x2000];
	v26 =	vadd.f32 v38, v26  }
0x63: {  	v32 =	vadd.f32 v32, v32;
	v27 =	vsub.f32 v33, v27;
	v33 =	vmul.f32 v35, v18;
	v37 =	vld [tilespmem:s21+$0x2400];
	[tilespmem:s21+$0x3480] =	vst v6  }
0x64: {  	v31 =	vnsel vm1, $0x0, v31;
	v38 =	vmul.f32 v35, v13;
	v6 =	vshll.u32 v39, $0x3;
	[tilespmem:s20+$0x3500] =	vst v26  }
0x65: {  	v8 =	vmul.f32 v27, v13;
	v26 =	vand.u32 $0x7F, v39;
	v6 =	vand.u32 $0xFFFFFC00, v6  }
0x66: {  	v35 =	vmul.f32 v35, v16;
	v6 =	vor.u32 v26, v6;
	v26 =	vadd.f32 v36, v1;
	v1 =	vmovc v23  }
0x67: {  	v30 =	vnsel vm1, $0x0, v30;
	v23 =	vor.u32 $0x180, v6;
	v36 =	vshll.u32 v34, $0x3  }
0x68: {  	v34 =	vand.u32 $0x7F, v34;
	v36 =	vand.u32 $0xFFFFFC00, v36;
	v30 =	vadd.f32 v37, v30;
	v37 =	vld [tilespmem:s20+$0x2400];
	[tilespmem:s19+$0x3400] =	vst v26;
	s19 =	smov.u32 s24  }
0x69: {  	s22 =	sadd.s32 $0x20, s22;
	v39 =	vor.u32 $0x280, v6;
	v26 =	vor.u32 $0x200, v6;
	v34 =	vor.u32 v34, v36;
	v36 =	vld [tilespmem:s21+$0x2500];
	[tilespmem:s18+$0x3600] =	vst v25  }
0x6a: {  	v25 =	vld [tilespmem:s22+$0x0];
	v40 =	vor.u32 $0x180, v34;
	v43 =	vor.u32 $0x200, v34;
	[tilespmem:s21+$0x3400] =	vst v30;
	v30 =	vadd.f32 v17, v17  }
0x6b: {  	v45 =	vor.u32 $0x80, v34;
	v17 =	vor.u32 $0x300, v34;
	v44 =	vld [tilespmem:s31+$0x2200];
	[tilespmem:s18+$0x3680] =	vst v22;
	v22 =	vadd.f32 v29, v0;
	v0 =	vmovc v12;
	s18 =	smov.u32 s21  }
0x6c: {  	v9 =	vadd.f32 v9, v24;
	v29 =	vor.u32 $0x100, v34;
	v12 =	vsub.f32 v41, v28;
	v28 =	vld [tilespmem:s20+$0x2600]  }
0x6d: {  	v5 =	vadd.f32 v32, v5;
	v46 =	vor.u32 $0x280, v34;
	v41 =	vor.u32 $0x300, v6;
	v23 =	vld.idx.msk [tilespmem:v23+s3+$0x0], $0xffff;
	[tilespmem:s17+$0x3580] =	vst v22  }
0x6e: {  	s23 =	sadd.s32 $0x100, s23;
	v24 =	vmul.f32 v12, v15;
	v16 =	vmul.f32 v12, v16;
	v19 =	vadd.f32 v37, v19;
	v22 =	vld.idx.msk [tilespmem:v34+s3+$0x0], $0xffff  }
0x6f: {  	v32 =	vor.u32 $0x80, v6;
	s24 =	sand.u32 $0xC00, s23;
	v2 =	vadd.f32 v30, v2;
	v31 =	vadd.f32 v36, v31;
	v34 =	vld.idx.msk [tilespmem:v26+s3+$0x0], $0xffff;
	[tilespmem:s17+$0x3600] =	vst v5  }
0x70: {  	v18 =	vmul.f32 v27, v18;
	s31 =	sor.u32 s24, s26;
	s21 =	sor.u32 s29, s24;
	s29 =	sor.u32 s24, s30;
	v15 =	vmul.f32 v27, v15;
	v36 =	vnsel vm0, $0x0, v11;
	v30 =	vld.idx.msk [tilespmem:v39+s3+$0x0], $0xffff;
	[tilespmem:s20+$0x3480] =	vst v9  }
0x71: {  	s24 =	sor.u32 $0x180, s31;
	v26 =	vsub.f32 v24, v33;
	v39 =	vor.u32 $0x100, v6;
	v9 =	vld [tilespmem:s29+$0x2480];
	v11 =	vmul.f32 v28, v36;
	[tilespmem:s17+$0x3680] =	vst v2;
	v5 =	vmovc v28;
	s17 =	smov.u32 s20;
	s20 =	smov.u32 s29  }
0x72: {  	v12 =	vmul.f32 v12, v13;
	v18 =	vsub.f32 v18, v16;
	v28 =	vnsel vm0, $0x3F800000, v42;
	v24 =	vld.idx.msk [tilespmem:v45+s3+$0x0], $0xffff;
	[tilespmem:s17+$0x3400] =	vst v19  }
0x73: {  	v15 =	vsub.f32 v35, v15;
	v33 =	vmul.f32 v0, v36;
	v13 =	vld.idx.msk [tilespmem:v41+s3+$0x0], $0xffff;
	v21 =	vsub.f32 v21, v11  }
0x74: {  	vm1 =	veq.s32 v25, $0x1;
	v25 =	vmul.f32 v3, v14;
	vm0 =	veq.s32 v44, $0x1;
	v2 =	vmovc v3;
	v27 =	vld.idx.msk [tilespmem:v32+s3+$0x0], $0xffff;
	[tilespmem:s18+$0x3500] =	vst v31  }
0x75: {  	v16 =	vnsel vm1, $0x0, v23;
	v23 =	vadd.f32 v18, v38;
	v31 =	vadd.f32 v15, v12;
	v11 =	vld.idx.msk [tilespmem:v46+s3+$0x0], $0xffff  }
0x76: {  	v19 =	vnsel vm0, $0x0, v22;
	v22 =	vmul.f32 v5, v14;
	v32 =	vmul.f32 v21, v36;
	v3 =	vld [tilespmem:s20+$0x2680]  }
0x77: {  	v33 =	vsub.f32 v33, v25;
	v15 =	vnsel vm1, $0x0, v34;
	v18 =	vnsel vm1, $0x0, v30;
	v35 =	vld.idx.msk [tilespmem:v43+s3+$0x0], $0xffff  }
0x78: {  	v20 =	vsub.f32 v22, v20;
	v25 =	vadd.f32 v31, v31;
	v31 =	vmul.f32 v21, v10;
	v12 =	vld [tilespmem:s20+$0x2580]  }
0x79: {  	v34 =	vmul.f32 v33, v36;
	v30 =	vadd.f32 v23, v23;
	v13 =	vnsel vm1, $0x3F800000, v13;
	v38 =	vld [tilespmem:s21+$0x2680]  }
0x7a: {  	v22 =	vadd.f32 v25, v4;
	v4 =	vmul.f32 v20, v10;
	v10 =	vmul.f32 v20, v14;
	v40 =	vld.idx.msk [tilespmem:v40+s3+$0x0], $0xffff  }
0x7b: {  	v25 =	vadd.f32 v30, v7;
	v30 =	vmul.f32 v20, v28;
	v14 =	vmul.f32 v33, v14;
	v23 =	vld [tilespmem:s24+$0x2400]  }
.Ltmp0:
0x7c: {  	v20 =	vmul.f32 v21, v28;
	v41 =	vsub.f32 v4, v34;
	v32 =	vsub.f32 v32, v10;
	v7 =	vld [tilespmem:s21+$0x2600];
	(pc) =	sbr.rel @p0 .LBB2_2-.Ltmp0, $4  }
0x7d: {  	v28 =	vmul.f32 v33, v28;
	v36 =	vsub.f32 v14, v31;
	v10 =	vnsel vm0, $0x0, v35;
	v34 =	vld.idx.msk [tilespmem:v29+s3+$0x0], $0xffff  }
0x7e: {  	v21 =	vmul.f32 v3, v10;
	v29 =	vadd.f32 v41, v20;
	v35 =	vmul.f32 v38, v16;
	v37 =	vld [tilespmem:s21+$0x2480];
	v4 =	vmovc v38  }
0x7f: {  	v32 =	vadd.f32 v32, v28;
	v20 =	vmul.f32 v12, v10;
	v33 =	vmul.f32 v4, v15;
	v38 =	vld [tilespmem:s20+$0x2500]  }
0x80: {  	s28 =	sadd.s32 $0x20, s28;
	s26 =	sadd.s32 $0x20, s26;
	v14 =	vnsel vm0, $0x0, v40;
	v29 =	vadd.f32 v29, v29;
	v31 =	vld.idx.msk [tilespmem:v39+s3+$0x0], $0xffff;
	v28 =	vmul.f32 v23, v15  }
0x81: {  	v39 =	vmul.f32 v23, v18;
	v27 =	vnsel vm1, $0x0, v27  }
0x82: {  	v8 =	vadd.f32 v26, v8;
	v57 =	vmul.f32 v7, v18;
	v58 =	vmul.f32 v7, v16  }
0x83: {  	v30 =	vadd.f32 v36, v30;
	v24 =	vnsel vm0, $0x0, v24;
	v32 =	vadd.f32 v32, v32  }
0x84: {  	v11 =	vnsel vm0, $0x0, v11;
	v0 =	vadd.f32 v29, v0;
	v9 =	vadd.f32 v9, v24  }
0x85: {  	v6 =	vld.idx.msk [tilespmem:v6+s3+$0x0], $0xffff;
	v42 =	vmul.f32 v3, v14;
	v27 =	vadd.f32 v37, v27;
	v35 =	vsub.f32 v39, v35  }
0x86: {  	v56 =	vld [tilespmem:s21+$0x2400];
	v34 =	vnsel vm0, $0x0, v34;
	v8 =	vadd.f32 v8, v8;
	v26 =	vsub.f32 v33, v57  }
0x87: {  	v59 =	vld [tilespmem:s20+$0x2400];
	v41 =	vmul.f32 v12, v11;
	v30 =	vadd.f32 v30, v30;
	v28 =	vsub.f32 v58, v28  }
0x88: {  	v61 =	vld [tilespmem:s21+$0x2500];
	v5 =	vadd.f32 v32, v5;
	v34 =	vadd.f32 v38, v34  }
0x89: {  	v36 =	vld [tilespmem:s20+$0x2600];
	v48 =	vsub.f32 v41, v42;
	v60 =	vmul.f32 v35, v18;
	v62 =	vmul.f32 v35, v13  }
0x8a: {  	v31 =	vnsel vm1, $0x0, v31;
	v35 =	vmul.f32 v35, v16;
	v63 =	vmul.f32 v28, v15  }
0x8b: {  	v17 =	vld.idx.msk [tilespmem:v17+s3+$0x0], $0xffff;
	v1 =	vadd.f32 v8, v1;
	v32 =	vmul.f32 v28, v16;
	v37 =	vmul.f32 v26, v18  }
0x8c: {  	v2 =	vadd.f32 v30, v2;
	v38 =	vmul.f32 v26, v15;
	v40 =	vmul.f32 v28, v13  }
0x8d: {  	v44 =	vmul.f32 v26, v13;
	v6 =	vnsel vm1, $0x0, v6;
	v19 =	vadd.f32 v59, v19  }
0x8e: {  	[tilespmem:s20+$0x3500] =	vst v34;
	v34 =	vadd.f32 v61, v31;
	v39 =	vmul.f32 v36, v11;
	v6 =	vadd.f32 v56, v6  }
0x8f: {  	[tilespmem:s17+$0x3580] =	vst v0;
	v43 =	vmul.f32 v36, v14;
	v24 =	vsub.f32 v63, v60;
	v16 =	vsub.f32 v37, v32  }
0x90: {  	[tilespmem:s20+$0x3480] =	vst v9;
	v47 =	vnsel vm0, $0x3F800000, v17;
	v15 =	vsub.f32 v35, v38;
	v21 =	vsub.f32 v21, v39  }
0x91: {  	[tilespmem:s21+$0x3480] =	vst v27;
	v55 =	vmul.f32 v48, v14;
	v49 =	vsub.f32 v43, v20;
	v45 =	vadd.f32 v16, v62  }
0x92: {  	[tilespmem:s17+$0x3600] =	vst v5;
	v46 =	vadd.f32 v15, v40;
	v50 =	vmul.f32 v21, v11;
	v11 =	vmul.f32 v48, v11  }
0x93: {  	[tilespmem:s19+$0x3400] =	vst v1;
	v54 =	vadd.f32 v24, v44;
	v52 =	vmul.f32 v49, v10;
	v53 =	vmul.f32 v49, v14  }
0x94: {  	[tilespmem:s17+$0x3680] =	vst v2;
	v51 =	vmul.f32 v21, v10;
	v1 =	vadd.f32 v45, v45;
	v8 =	vadd.f32 v46, v46  }
0x95: {  	[tilespmem:s18+$0x3600] =	vst v25;
	v56 =	vmul.f32 v21, v47;
	v10 =	vsub.f32 v52, v11;
	v0 =	vsub.f32 v50, v53  }
0x96: {  	v57 =	vmul.f32 v48, v47;
	[tilespmem:s18+$0x3680] =	vst v22;
	v1 =	vadd.f32 v1, v7;
	v7 =	vadd.f32 v54, v54  }
0x97: {  	[tilespmem:s20+$0x3400] =	vst v19;
	v58 =	vmul.f32 v49, v47;
	v5 =	vsub.f32 v55, v51;
	v59 =	vadd.f32 v10, v56  }
0x98: {  	[tilespmem:s21+$0x3500] =	vst v34;
	v0 =	vadd.f32 v0, v57;
	v60 =	vadd.f32 v7, v23  }
0x99: {  	[tilespmem:s21+$0x3400] =	vst v6;
	v2 =	vadd.f32 v5, v58;
	v61 =	vadd.f32 v59, v59  }
0x9a: {  	v4 =	vadd.f32 v8, v4;
	v0 =	vadd.f32 v0, v0;
	[tilespmem:s24+$0x3400] =	vst v60  }
0x9b: {  	v62 =	vadd.f32 v2, v2;
	[tilespmem:s21+$0x3600] =	vst v1;
	v63 =	vadd.f32 v61, v12  }
0x9c: {  	[tilespmem:s21+$0x3680] =	vst v4;
	v0 =	vadd.f32 v0, v36  }
0x9d: {  	s16 =	sadd.s32 $0x1, s16;
	v1 =	vadd.f32 v62, v3;
	[tilespmem:s20+$0x3580] =	vst v63  }
0x9e: {  	p0 =	sne.s32 s16, s8;
	[tilespmem:s20+$0x3600] =	vst v0  }
.Ltmp1:
0x9f: {  	[tilespmem:s20+$0x3680] =	vst v1;
	(pc) =	sbr.rel @p0 .LBB2_1-.Ltmp1, $4  }
0xa0: {  	[hbm4b:s7+s3] =	stream.linear.scatter [tilespmem:s14], [sflag:$0x5], $0x1000, $0x38;
	[tilespmem:$0x4400] =	vst v63  }
0xa1: {  	_ =	swait.ge [sflag:s15], $0x1000  }
0xa2: {  	[sflag:s15] =	ssyncset.done $0x0  }
0xa3: {  	[sflag:s15] =	ssyncadd.s32 $0xFFFFF000  }
0xa4: {  	_ =	sfence.sel $0x180000  }
0xa5: {  	[bflag:$0x0] =	sbarrier.arrive $0xFFFF  }
0xa6: {  	p0 =	sne.s32 s2, $0x0;
	_ =	strace $0x90000047  }
0xa7: {  	s0 =	sadd.s32 @!p0 $0x100000, s1;
	[bflag:$0x2] =	sbarrier.arrive $0xFFFF  }
0xa8: {  	[sflag:s0] =	ssyncadd.tile.s32 @!p0 $0x1;
	_ =	shalt  }
.Lfunc_end2:
_tile_overlayer_lowered:
.L_overlay_start_2:
0xa9: {  	(tag) =	ssettag $0x2  }
0xaa: {  	s0 =	rddreg [dreg:$0x0];
	s2 =	stileid.u32  }
0xab: {  	s1 =	rddreg [dreg:$0x1];
	p0 =	sne.s32 s2, $0x0  }
0xac: {  	s3 =	rddreg [dreg:$0x2];
	[bflag:$0x3] =	sbarrier.arrive $0xFFFF;
	s2 =	simm.s32 @!p0 $0x1C05  }
0xad: {  	[timem:s3], [sflag:s2] =	dma.local @!p0 [hbm:s0], s1  }
0xae: {  	s0 =	simm.s32 @!p0 $0x5  }
0xaf: {  	_ =	swait.ge @!p0 [sflag:s0], s1  }
0xb0: {  	s1 =	ssub.s32 @!p0 $0x0, s1;
	[sflag:s0] =	ssyncset.done @!p0 $0x0  }
0xb1: {  	[sflag:s0] =	ssyncadd.s32 @!p0 s1  }
0xb2: {  	[bflag:$0x3] =	sbarrier.arrive $0xFFFF  }
0xb3: {  	_ =	shalt  }

</sc_bundles>
